<compile_context>
chip_gen: v7x
topology: tpu7x:2x2x1
jax: 0.10.2.dev20260603
libtpu: 0.0.44.dev20260713+nightly
codegen_flags: <defaults>
</compile_context>

<pallas_src>
import functools

import jax
import jax.numpy as jnp
import numpy as np
from jax import lax
from jax.experimental import pallas as pl
from jax.experimental.pallas import tpu as pltpu

_B = 512
_TB = 2 * _B


def _nms_block_kernel(bc_ref, btw_ref, out_ref, sup_ref,
                      *, nblk: int, ntile: int):
    k = pl.program_id(0)
    B = _B
    f32 = jnp.float32

    @pl.when(k == 0)
    def _init():
        sup_ref[...] = jnp.zeros_like(sup_ref)

    rowid = lax.broadcasted_iota(jnp.int32, (B, B), 0)
    colid = lax.broadcasted_iota(jnp.int32, (B, B), 1)
    eye = (rowid == colid).astype(f32)

    def _t(col):
        return jnp.sum(eye * col, axis=0, keepdims=True)

    bkc = bc_ref[0]
    x1r, y1r, x2r, y2r = (bkc[:, 0:1], bkc[:, 1:2], bkc[:, 2:3], bkc[:, 3:4])
    a3r = (x2r - x1r) * (y2r - y1r) * (1.0 / 3.0)
    x1k, y1k, x2k, y2k = _t(x1r), _t(y1r), _t(x2r), _t(y2r)
    a3k = _t(a3r)

    def _pairs(x1c, y1c, x2c, y2c, a3c):
        iw = jnp.minimum(x2r, x2c) - jnp.maximum(x1r, x1c)
        ih = jnp.minimum(y2r, y2c) - jnp.maximum(y1r, y1c)
        inter = jnp.maximum(iw, 0.0) * jnp.maximum(ih, 0.0)
        return (inter > a3r + a3c).astype(f32)

    m = _pairs(x1k, y1k, x2k, y2k, a3k)
    mtri = m * (rowid < colid).astype(f32)

    ext = sup_ref[k]

    def _cond(carry):
        return carry[1]

    def _sweep1(rem):
        cnt = jnp.dot(1.0 - rem, mtri, preferred_element_type=f32)
        return jnp.maximum(ext, (cnt > 0.5).astype(f32))

    def _sweep2(carry):
        r1 = _sweep1(carry[0])
        r2 = _sweep1(r1)
        return r2, jnp.any(r2 != r1)

    rem, _ = lax.while_loop(_cond, _sweep2, (ext, True))
    keep_row = 1.0 - rem
    out_ref[...] = keep_row[None]

    def _prop(j, _):
        t = btw_ref[j]
        x1c, y1c, x2c, y2c = (t[0:1, :], t[1:2, :], t[2:3, :], t[3:4, :])
        a3c = (x2c - x1c) * (y2c - y1c) * (1.0 / 3.0)
        chunk = _pairs(x1c, y1c, x2c, y2c, a3c)
        cnt = jnp.dot(keep_row, chunk, preferred_element_type=f32)
        s = (cnt > 0.5).astype(f32)
        sup_ref[2 * j] = jnp.maximum(sup_ref[2 * j], s[:, 0:B])
        sup_ref[2 * j + 1] = jnp.maximum(sup_ref[2 * j + 1], s[:, B:2 * B])
        return 0

    lax.fori_loop(((k + 1) * B) // _TB, ntile, _prop, 0)


@jax.jit
def kernel(boxes, scores):
    n = scores.shape[0]
    B = _B
    nblk = -(-n // B)
    nblk += nblk % 2
    ntile = nblk // 2
    n_pad = nblk * B
    f32 = jnp.float32

    pad_rows = np.zeros((n_pad - n, 8), np.float32)
    pad_rows[:, 4] = -1.0
    packed = jnp.concatenate(
        [boxes.astype(f32), scores.astype(f32)[:, None],
         jnp.zeros((n, 3), f32)], axis=1)
    packed = jnp.concatenate([packed, jnp.asarray(pad_rows)], axis=0)
    order = jnp.argsort(-packed[:, 4])
    bs8 = packed[order]
    bc = bs8.reshape(nblk, B, 8)
    btw = bs8.reshape(ntile, _TB, 8).transpose(0, 2, 1)

    keep_sorted = pl.pallas_call(
        functools.partial(_nms_block_kernel, nblk=nblk, ntile=ntile),
        grid=(nblk,),
        in_specs=[pl.BlockSpec((1, B, 8), lambda k: (k, 0, 0)),
                  pl.BlockSpec((ntile, 8, _TB), lambda k: (0, 0, 0))],
        out_specs=pl.BlockSpec((1, 1, B), lambda k: (k, 0, 0)),
        out_shape=jax.ShapeDtypeStruct((nblk, 1, B), f32),
        scratch_shapes=[pltpu.VMEM((nblk, 1, B), f32)],
    )(bc, btw)

    keep_sorted = keep_sorted.reshape(n_pad)
    keep_mask = jnp.zeros((n_pad,), f32).at[order].set(keep_sorted)[:n]
    return scores * keep_mask

# --- scband reference (transcript-rebuilt; emitter-appended) ---
"""Pipeline reference for scband-second-42417097016368 (READ-ONLY COPY).

The authoritative reference and input builder live on the scoring server;
editing this copy changes nothing except your own understanding.
"""

import jax, jax.numpy as jnp
import numpy as np

IOU_THRESHOLD = 0.5
N = 5000


def setup_inputs(seed: int = 0) -> dict:
    key = jax.random.key(seed)
    k1, k2, k3 = jax.random.split(key, 3)
    xy = jax.random.uniform(k1, (N, 2), minval=0.0, maxval=1024.0)
    wh = jax.random.uniform(k2, (N, 2), minval=1.0, maxval=128.0)
    boxes = jnp.concatenate([xy, xy + wh], axis=-1).astype(jnp.float32)
    scores = jax.random.uniform(k3, (N,)).astype(jnp.float32)
    return {"boxes": boxes, "scores": scores}


def _pairwise_iou(b):
    area = (b[:, 2] - b[:, 0]) * (b[:, 3] - b[:, 1])
    lt = jnp.maximum(b[:, None, :2], b[None, :, :2])
    rb = jnp.minimum(b[:, None, 2:], b[None, :, 2:])
    wh = jnp.clip(rb - lt, 0.0, None)
    inter = wh[..., 0] * wh[..., 1]
    union = area[:, None] + area[None, :] - inter
    return inter / jnp.maximum(union, 1e-9)


def reference(boxes, scores):
    n = boxes.shape[0]
    order = jnp.argsort(-scores)
    b = boxes[order]
    iou = _pairwise_iou(b)
    idx = jnp.arange(n)

    def body(i, keep):
        # suppressed if any already-kept higher-scoring box j < i has IoU > thr
        sup = jnp.any((iou[:, i] > IOU_THRESHOLD) & keep & (idx < i))
        return keep.at[i].set(jnp.logical_not(sup))

    keep_sorted = jax.lax.fori_loop(0, n, body, jnp.zeros((n,), dtype=bool))
    keep_mask = jnp.zeros((n,), dtype=bool).at[order].set(keep_sorted)
    # survivors keep their scores, suppressed boxes are zeroed (keep indices = nonzero entries)
    selected_scores = scores * keep_mask.astype(scores.dtype)
    return selected_scores

if __name__ == "__main__":
    import jax
    _d = setup_inputs()
    print(jax.jit(kernel)(*tuple(_d.values())))

</pallas_src>

<mosaic_0001>
module attributes {stable_mosaic.version = 14 : i64} {
  func.func @_nms_block_kernel(%arg0: i32, %arg1: memref<1x512x8xf32, #tpu.memory_space<vmem>>, %arg2: memref<5x8x1024xf32, #tpu.memory_space<vmem>>, %arg3: memref<1x1x512xf32, #tpu.memory_space<vmem>>, %arg4: memref<10x1x512xf32, #tpu.memory_space<vmem>>) attributes {dimension_semantics = [#tpu.dimension_semantics<arbitrary>], iteration_bounds = array<i64: 10>, scalar_prefetch = 0 : i64, scratch_operands = 1 : i64, tpu.core_type = #tpu.core_type<tc>, window_params = [{transform_indices = @transform_0, window_bounds = array<i64: 1, 512, 8>}, {pipeline_mode = #tpu.pipeline_mode<synchronous>, transform_indices = @transform_1, window_bounds = array<i64: 5, 8, 1024>}, {transform_indices = @transform_2, window_bounds = array<i64: 1, 1, 512>}]} {
    %eq3A = arith.constant 0 : i32
    %eq3A_0 = arith.cmpi eq, %arg0, %eq3A : i32
    %convert_element_type3A = arith.extui %eq3A_0 : i1 to i32
    %cond3A = arith.constant 0 : i32
    %cond3A_1 = arith.cmpi ne, %convert_element_type3A, %cond3A : i32
    scf.if %cond3A_1 {
      %broadcast_in_dim3A_112 = arith.constant 0.000000e+00 : f32
      %broadcast_in_dim3A_113 = vector.broadcast %broadcast_in_dim3A_112 : f32 to vector<10x1x512xf32>
      %swap3A_114 = arith.constant 0 : index
      %swap3A_115 = arith.constant 0 : index
      %swap3A_116 = arith.constant 0 : index
      %swap3A_117 = vector.load %arg4[%swap3A_114, %swap3A_115, %swap3A_116] : memref<10x1x512xf32, #tpu.memory_space<vmem>>, vector<10x1x512xf32>
      tpu.vector_store %arg4[%swap3A_114, %swap3A_115, %swap3A_116], %broadcast_in_dim3A_113 {strides = array<i32>} : memref<10x1x512xf32, #tpu.memory_space<vmem>>, vector<10x1x512xf32>,
    } else {
    }
    %iota3A = tpu.iota {dimensions = array<i32: 0>} : vector<512x512xi32>
    %iota3A_2 = tpu.iota {dimensions = array<i32: 1>} : vector<512x512xi32>
    %eq3A_3 = arith.cmpi eq, %iota3A, %iota3A_2 : vector<512x512xi32>
    %convert_element_type3A_4 = arith.extui %eq3A_3 : vector<512x512xi1> to vector<512x512xi32>
    %convert_element_type3A_5 = arith.sitofp %convert_element_type3A_4 : vector<512x512xi32> to vector<512x512xf32>
    %get3A = arith.constant 0 : index
    %get3A_6 = arith.constant 0 : index
    %get3A_7 = arith.constant 0 : index
    %get3A_8 = vector.load %arg1[%get3A, %get3A_6, %get3A_7] : memref<1x512x8xf32, #tpu.memory_space<vmem>>, vector<1x512x8xf32>
    %get3A_9 = vector.shape_cast %get3A_8 : vector<1x512x8xf32> to vector<512x8xf32>
    %slice3A = vector.extract_strided_slice %get3A_9 {offsets = [0, 0], sizes = [512, 1], strides = [1, 1]} : vector<512x8xf32> to vector<512x1xf32>
    %slice3A_10 = vector.extract_strided_slice %get3A_9 {offsets = [0, 1], sizes = [512, 1], strides = [1, 1]} : vector<512x8xf32> to vector<512x1xf32>
    %slice3A_11 = vector.extract_strided_slice %get3A_9 {offsets = [0, 2], sizes = [512, 1], strides = [1, 1]} : vector<512x8xf32> to vector<512x1xf32>
    %slice3A_12 = vector.extract_strided_slice %get3A_9 {offsets = [0, 3], sizes = [512, 1], strides = [1, 1]} : vector<512x8xf32> to vector<512x1xf32>
    %sub3A = arith.subf %slice3A_11, %slice3A : vector<512x1xf32>
    %sub3A_13 = arith.subf %slice3A_12, %slice3A_10 : vector<512x1xf32>
    %mul3A = arith.mulf %sub3A, %sub3A_13 : vector<512x1xf32>
    %mul3A_14 = arith.constant 0.333333343 : f32
    %mul3A_15 = vector.broadcast %mul3A_14 : f32 to vector<512x1xf32>
    %mul3A_16 = arith.mulf %mul3A, %mul3A_15 : vector<512x1xf32>
    %mul3A_17 = vector.broadcast %slice3A : vector<512x1xf32> to vector<512x512xf32>
    %mul3A_18 = arith.mulf %convert_element_type3A_5, %mul3A_17 : vector<512x512xf32>
    %reduce_sum3A = arith.constant dense<0.000000e+00> : vector<512xf32>
    %reduce_sum3A_19 = vector.multi_reduction <add>, %mul3A_18, %reduce_sum3A [0] : vector<512x512xf32> to vector<512xf32>
    %broadcast_in_dim3A = vector.shape_cast %reduce_sum3A_19 : vector<512xf32> to vector<1x512xf32>
    %mul3A_20 = vector.broadcast %slice3A_10 : vector<512x1xf32> to vector<512x512xf32>
    %mul3A_21 = arith.mulf %convert_element_type3A_5, %mul3A_20 : vector<512x512xf32>
    %reduce_sum3A_22 = arith.constant dense<0.000000e+00> : vector<512xf32>
    %reduce_sum3A_23 = vector.multi_reduction <add>, %mul3A_21, %reduce_sum3A_22 [0] : vector<512x512xf32> to vector<512xf32>
    %broadcast_in_dim3A_24 = vector.shape_cast %reduce_sum3A_23 : vector<512xf32> to vector<1x512xf32>
    %mul3A_25 = vector.broadcast %slice3A_11 : vector<512x1xf32> to vector<512x512xf32>
    %mul3A_26 = arith.mulf %convert_element_type3A_5, %mul3A_25 : vector<512x512xf32>
    %reduce_sum3A_27 = arith.constant dense<0.000000e+00> : vector<512xf32>
    %reduce_sum3A_28 = vector.multi_reduction <add>, %mul3A_26, %reduce_sum3A_27 [0] : vector<512x512xf32> to vector<512xf32>
    %broadcast_in_dim3A_29 = vector.shape_cast %reduce_sum3A_28 : vector<512xf32> to vector<1x512xf32>
    %mul3A_30 = vector.broadcast %slice3A_12 : vector<512x1xf32> to vector<512x512xf32>
    %mul3A_31 = arith.mulf %convert_element_type3A_5, %mul3A_30 : vector<512x512xf32>
    %reduce_sum3A_32 = arith.constant dense<0.000000e+00> : vector<512xf32>
    %reduce_sum3A_33 = vector.multi_reduction <add>, %mul3A_31, %reduce_sum3A_32 [0] : vector<512x512xf32> to vector<512xf32>
    %broadcast_in_dim3A_34 = vector.shape_cast %reduce_sum3A_33 : vector<512xf32> to vector<1x512xf32>
    %mul3A_35 = vector.broadcast %mul3A_16 : vector<512x1xf32> to vector<512x512xf32>
    %mul3A_36 = arith.mulf %convert_element_type3A_5, %mul3A_35 : vector<512x512xf32>
    %reduce_sum3A_37 = arith.constant dense<0.000000e+00> : vector<512xf32>
    %reduce_sum3A_38 = vector.multi_reduction <add>, %mul3A_36, %reduce_sum3A_37 [0] : vector<512x512xf32> to vector<512xf32>
    %broadcast_in_dim3A_39 = vector.shape_cast %reduce_sum3A_38 : vector<512xf32> to vector<1x512xf32>
    %min3A = vector.broadcast %slice3A_11 : vector<512x1xf32> to vector<512x512xf32>
    %min3A_40 = vector.broadcast %broadcast_in_dim3A_29 : vector<1x512xf32> to vector<512x512xf32>
    %min3A_41 = arith.minimumf %min3A, %min3A_40 : vector<512x512xf32>
    %max3A = vector.broadcast %slice3A : vector<512x1xf32> to vector<512x512xf32>
    %max3A_42 = vector.broadcast %broadcast_in_dim3A : vector<1x512xf32> to vector<512x512xf32>
    %max3A_43 = arith.maximumf %max3A, %max3A_42 : vector<512x512xf32>
    %sub3A_44 = arith.subf %min3A_41, %max3A_43 : vector<512x512xf32>
    %min3A_45 = vector.broadcast %slice3A_12 : vector<512x1xf32> to vector<512x512xf32>
    %min3A_46 = vector.broadcast %broadcast_in_dim3A_34 : vector<1x512xf32> to vector<512x512xf32>
    %min3A_47 = arith.minimumf %min3A_45, %min3A_46 : vector<512x512xf32>
    %max3A_48 = vector.broadcast %slice3A_10 : vector<512x1xf32> to vector<512x512xf32>
    %max3A_49 = vector.broadcast %broadcast_in_dim3A_24 : vector<1x512xf32> to vector<512x512xf32>
    %max3A_50 = arith.maximumf %max3A_48, %max3A_49 : vector<512x512xf32>
    %sub3A_51 = arith.subf %min3A_47, %max3A_50 : vector<512x512xf32>
    %max3A_52 = arith.constant 0.000000e+00 : f32
    %max3A_53 = vector.broadcast %max3A_52 : f32 to vector<512x512xf32>
    %max3A_54 = arith.maximumf %sub3A_44, %max3A_53 : vector<512x512xf32>
    %max3A_55 = arith.constant 0.000000e+00 : f32
    %max3A_56 = vector.broadcast %max3A_55 : f32 to vector<512x512xf32>
    %max3A_57 = arith.maximumf %sub3A_51, %max3A_56 : vector<512x512xf32>
    %mul3A_58 = arith.mulf %max3A_54, %max3A_57 : vector<512x512xf32>
    %add3A = vector.broadcast %mul3A_16 : vector<512x1xf32> to vector<512x512xf32>
    %add3A_59 = vector.broadcast %broadcast_in_dim3A_39 : vector<1x512xf32> to vector<512x512xf32>
    %add3A_60 = arith.addf %add3A, %add3A_59 : vector<512x512xf32>
    %gt3A = arith.cmpf ogt, %mul3A_58, %add3A_60 : vector<512x512xf32>
    %convert_element_type3A_61 = arith.extui %gt3A : vector<512x512xi1> to vector<512x512xi32>
    %convert_element_type3A_62 = arith.sitofp %convert_element_type3A_61 : vector<512x512xi32> to vector<512x512xf32>
    %lt3A = arith.cmpi slt, %iota3A, %iota3A_2 : vector<512x512xi32>
    %convert_element_type3A_63 = arith.extui %lt3A : vector<512x512xi1> to vector<512x512xi32>
    %convert_element_type3A_64 = arith.sitofp %convert_element_type3A_63 : vector<512x512xi32> to vector<512x512xf32>
    %mul3A_65 = arith.mulf %convert_element_type3A_62, %convert_element_type3A_64 : vector<512x512xf32>
    %get3A_66 = arith.index_cast %arg0 : i32 to index
    %get3A_67 = arith.constant 0 : index
    %get3A_68 = arith.constant 0 : index
    %get3A_69 = vector.load %arg4[%get3A_66, %get3A_67, %get3A_68] : memref<10x1x512xf32, #tpu.memory_space<vmem>>, vector<1x1x512xf32>
    %get3A_70 = vector.shape_cast %get3A_69 : vector<1x1x512xf32> to vector<1x512xf32>
    %while3A = arith.constant true
    %while3A_71:2 = scf.while (%while3A_112 = %get3A_70, %while3A_113 = %while3A) : (vector<1x512xf32>, i1) -> (vector<1x512xf32>, i1) {
      scf.condition(%while3A_113) %while3A_112, %while3A_113 : vector<1x512xf32>, i1
    } do {
    ^bb0(%while3A_112: vector<1x512xf32>, %while3A_113: i1):
      %sub3A_114 = arith.constant 1.000000e+00 : f32
      %sub3A_115 = vector.broadcast %sub3A_114 : f32 to vector<1x512xf32>
      %sub3A_116 = arith.subf %sub3A_115, %while3A_112 : vector<1x512xf32>
      %dot_general3A = arith.constant dense<0.000000e+00> : vector<1x512xf32>
      %dot_general3A_117 = tpu.matmul %sub3A_116, %mul3A_65, %dot_general3A {dimension_numbers = #tpu.dot_dimension_numbers<[1], [0], [0], [1], [0, 0, 1, 1], [], []>, transpose_lhs_hint = false} : vector<1x512xf32>, vector<512x512xf32>, vector<1x512xf32> -> vector<1x512xf32>
      %gt3A_118 = arith.constant 5.000000e-01 : f32
      %gt3A_119 = vector.broadcast %gt3A_118 : f32 to vector<1x512xf32>
      %gt3A_120 = arith.cmpf ogt, %dot_general3A_117, %gt3A_119 : vector<1x512xf32>
      %convert_element_type3A_121 = arith.extui %gt3A_120 : vector<1x512xi1> to vector<1x512xi32>
      %convert_element_type3A_122 = arith.sitofp %convert_element_type3A_121 : vector<1x512xi32> to vector<1x512xf32>
      %max3A_123 = arith.maximumf %get3A_70, %convert_element_type3A_122 : vector<1x512xf32>
      %sub3A_124 = arith.constant 1.000000e+00 : f32
      %sub3A_125 = vector.broadcast %sub3A_124 : f32 to vector<1x512xf32>
      %sub3A_126 = arith.subf %sub3A_125, %max3A_123 : vector<1x512xf32>
      %dot_general3A_127 = arith.constant dense<0.000000e+00> : vector<1x512xf32>
      %dot_general3A_128 = tpu.matmul %sub3A_126, %mul3A_65, %dot_general3A_127 {dimension_numbers = #tpu.dot_dimension_numbers<[1], [0], [0], [1], [0, 0, 1, 1], [], []>, transpose_lhs_hint = false} : vector<1x512xf32>, vector<512x512xf32>, vector<1x512xf32> -> vector<1x512xf32>
      %gt3A_129 = arith.constant 5.000000e-01 : f32
      %gt3A_130 = vector.broadcast %gt3A_129 : f32 to vector<1x512xf32>
      %gt3A_131 = arith.cmpf ogt, %dot_general3A_128, %gt3A_130 : vector<1x512xf32>
      %convert_element_type3A_132 = arith.extui %gt3A_131 : vector<1x512xi1> to vector<1x512xi32>
      %convert_element_type3A_133 = arith.sitofp %convert_element_type3A_132 : vector<1x512xi32> to vector<1x512xf32>
      %max3A_134 = arith.maximumf %get3A_70, %convert_element_type3A_133 : vector<1x512xf32>
      %ne3A_135 = arith.cmpf one, %max3A_134, %max3A_123 : vector<1x512xf32>
      %reduce_or3A = arith.constant 1.000000e+00 : f32
      %reduce_or3A_136 = arith.constant 0.000000e+00 : f32
      %reduce_or3A_137 = vector.broadcast %reduce_or3A : f32 to vector<1x512xf32>
      %reduce_or3A_138 = vector.broadcast %reduce_or3A_136 : f32 to vector<1x512xf32>
      %reduce_or3A_139 = arith.select %ne3A_135, %reduce_or3A_137, %reduce_or3A_138 : vector<1x512xi1>, vector<1x512xf32>
      %reduce_or3A_140 = vector.shape_cast %reduce_or3A_139 : vector<1x512xf32> to vector<1x1x512xf32>
      %reduce_or3A_141 = arith.constant dense<0xFF800000> : vector<1xf32>
      %reduce_or3A_142 = vector.multi_reduction <maximumf>, %reduce_or3A_140, %reduce_or3A_141 [1, 2] : vector<1x1x512xf32> to vector<1xf32>
      %reduce_or3A_143 = vector.shape_cast %reduce_or3A_142 : vector<1xf32> to vector<1x1x1xf32>
      %reduce_or3A_144 = vector.extract %reduce_or3A_143[0, 0, 0] : f32 from vector<1x1x1xf32>
      %reduce_or3A_145 = arith.constant 0.000000e+00 : f32
      %reduce_or3A_146 = arith.cmpf ogt, %reduce_or3A_144, %reduce_or3A_145 : f32
      scf.yield %max3A_134, %reduce_or3A_146 : vector<1x512xf32>, i1
    }
    %sub3A_72 = arith.constant 1.000000e+00 : f32
    %sub3A_73 = vector.broadcast %sub3A_72 : f32 to vector<1x512xf32>
    %sub3A_74 = arith.subf %sub3A_73, %while3A_71#0 : vector<1x512xf32>
    %broadcast_in_dim3A_75 = vector.shape_cast %sub3A_74 : vector<1x512xf32> to vector<1x1x512xf32>
    %swap3A = arith.constant 0 : index
    %swap3A_76 = arith.constant 0 : index
    %swap3A_77 = arith.constant 0 : index
    %swap3A_78 = vector.load %arg3[%swap3A, %swap3A_76, %swap3A_77] : memref<1x1x512xf32, #tpu.memory_space<vmem>>, vector<1x1x512xf32>
    tpu.vector_store %arg3[%swap3A, %swap3A_76, %swap3A_77], %broadcast_in_dim3A_75 {strides = array<i32>} : memref<1x1x512xf32, #tpu.memory_space<vmem>>, vector<1x1x512xf32>,
    %add3A_79 = arith.constant 1 : i32
    %add3A_80 = arith.addi %arg0, %add3A_79 : i32
    %mul3A_81 = arith.constant 512 : i32
    %mul3A_82 = arith.muli %add3A_80, %mul3A_81 : i32
    %jit3A = arith.constant 1024 : i32
    %div3A = arith.divsi %mul3A_82, %jit3A : i32
    %sign3A = arith.constant 0 : i32
    %sign3A_83 = arith.cmpi sgt, %mul3A_82, %sign3A : i32
    %sign3A_84 = arith.extui %sign3A_83 : i1 to i32
    %sign3A_85 = arith.constant 0 : i32
    %sign3A_86 = arith.cmpi slt, %mul3A_82, %sign3A_85 : i32
    %sign3A_87 = arith.extui %sign3A_86 : i1 to i32
    %sign3A_88 = arith.subi %sign3A_84, %sign3A_87 : i32
    %sign3A_89 = arith.constant 0 : i32
    %sign3A_90 = arith.cmpi sgt, %jit3A, %sign3A_89 : i32
    %sign3A_91 = arith.extui %sign3A_90 : i1 to i32
    %sign3A_92 = arith.constant 0 : i32
    %sign3A_93 = arith.cmpi slt, %jit3A, %sign3A_92 : i32
    %sign3A_94 = arith.extui %sign3A_93 : i1 to i32
    %sign3A_95 = arith.subi %sign3A_91, %sign3A_94 : i32
    %ne3A = arith.cmpi ne, %sign3A_88, %sign3A_95 : i32
    %rem3A = arith.remsi %mul3A_82, %jit3A : i32
    %ne3A_96 = arith.constant 0 : i32
    %ne3A_97 = arith.cmpi ne, %rem3A, %ne3A_96 : i32
    %and3A = arith.andi %ne3A, %ne3A_97 : i1
    %sub3A_98 = arith.constant 1 : i32
    %sub3A_99 = arith.subi %div3A, %sub3A_98 : i32
    %select_n3A = arith.select %and3A, %sub3A_99, %div3A : i32
    %while3A_100 = arith.constant 5 : i32
    %while3A_101 = arith.constant 0 : i32
    %while3A_102 = arith.subi %while3A_100, %select_n3A : i32
    %while3A_103 = arith.addi %select_n3A, %while3A_102 : i32
    %while3A_104 = arith.constant 1 : i32
    %while3A_105 = arith.divsi %while3A_102, %while3A_104 : i32
    %while3A_106 = arith.muli %while3A_105, %while3A_104 : i32
    %while3A_107 = arith.addi %select_n3A, %while3A_106 : i32
    %while3A_108 = arith.constant 1 : i32
    %while3A_109 = scf.for %while3A_112 = %select_n3A to %while3A_107 step %while3A_108 iter_args(%while3A_113 = %while3A_101) -> (i32)  : i32 {
      %get3A_114 = arith.index_cast %while3A_112 : i32 to index
      %get3A_115 = arith.constant 0 : index
      %get3A_116 = arith.constant 0 : index
      %get3A_117 = vector.load %arg2[%get3A_114, %get3A_115, %get3A_116] : memref<5x8x1024xf32, #tpu.memory_space<vmem>>, vector<1x8x1024xf32>
      %get3A_118 = vector.shape_cast %get3A_117 : vector<1x8x1024xf32> to vector<8x1024xf32>
      %slice3A_119 = vector.extract_strided_slice %get3A_118 {offsets = [0, 0], sizes = [1, 1024], strides = [1, 1]} : vector<8x1024xf32> to vector<1x1024xf32>
      %slice3A_120 = vector.extract_strided_slice %get3A_118 {offsets = [1, 0], sizes = [1, 1024], strides = [1, 1]} : vector<8x1024xf32> to vector<1x1024xf32>
      %slice3A_121 = vector.extract_strided_slice %get3A_118 {offsets = [2, 0], sizes = [1, 1024], strides = [1, 1]} : vector<8x1024xf32> to vector<1x1024xf32>
      %slice3A_122 = vector.extract_strided_slice %get3A_118 {offsets = [3, 0], sizes = [1, 1024], strides = [1, 1]} : vector<8x1024xf32> to vector<1x1024xf32>
      %sub3A_123 = arith.subf %slice3A_121, %slice3A_119 : vector<1x1024xf32>
      %sub3A_124 = arith.subf %slice3A_122, %slice3A_120 : vector<1x1024xf32>
      %mul3A_125 = arith.mulf %sub3A_123, %sub3A_124 : vector<1x1024xf32>
      %mul3A_126 = arith.constant 0.333333343 : f32
      %mul3A_127 = vector.broadcast %mul3A_126 : f32 to vector<1x1024xf32>
      %mul3A_128 = arith.mulf %mul3A_125, %mul3A_127 : vector<1x1024xf32>
      %min3A_129 = vector.broadcast %slice3A_11 : vector<512x1xf32> to vector<512x1024xf32>
      %min3A_130 = vector.broadcast %slice3A_121 : vector<1x1024xf32> to vector<512x1024xf32>
      %min3A_131 = arith.minimumf %min3A_129, %min3A_130 : vector<512x1024xf32>
      %max3A_132 = vector.broadcast %slice3A : vector<512x1xf32> to vector<512x1024xf32>
      %max3A_133 = vector.broadcast %slice3A_119 : vector<1x1024xf32> to vector<512x1024xf32>
      %max3A_134 = arith.maximumf %max3A_132, %max3A_133 : vector<512x1024xf32>
      %sub3A_135 = arith.subf %min3A_131, %max3A_134 : vector<512x1024xf32>
      %min3A_136 = vector.broadcast %slice3A_12 : vector<512x1xf32> to vector<512x1024xf32>
      %min3A_137 = vector.broadcast %slice3A_122 : vector<1x1024xf32> to vector<512x1024xf32>
      %min3A_138 = arith.minimumf %min3A_136, %min3A_137 : vector<512x1024xf32>
      %max3A_139 = vector.broadcast %slice3A_10 : vector<512x1xf32> to vector<512x1024xf32>
      %max3A_140 = vector.broadcast %slice3A_120 : vector<1x1024xf32> to vector<512x1024xf32>
      %max3A_141 = arith.maximumf %max3A_139, %max3A_140 : vector<512x1024xf32>
      %sub3A_142 = arith.subf %min3A_138, %max3A_141 : vector<512x1024xf32>
      %max3A_143 = arith.constant 0.000000e+00 : f32
      %max3A_144 = vector.broadcast %max3A_143 : f32 to vector<512x1024xf32>
      %max3A_145 = arith.maximumf %sub3A_135, %max3A_144 : vector<512x1024xf32>
      %max3A_146 = arith.constant 0.000000e+00 : f32
      %max3A_147 = vector.broadcast %max3A_146 : f32 to vector<512x1024xf32>
      %max3A_148 = arith.maximumf %sub3A_142, %max3A_147 : vector<512x1024xf32>
      %mul3A_149 = arith.mulf %max3A_145, %max3A_148 : vector<512x1024xf32>
      %add3A_150 = vector.broadcast %mul3A_16 : vector<512x1xf32> to vector<512x1024xf32>
      %add3A_151 = vector.broadcast %mul3A_128 : vector<1x1024xf32> to vector<512x1024xf32>
      %add3A_152 = arith.addf %add3A_150, %add3A_151 : vector<512x1024xf32>
      %gt3A_153 = arith.cmpf ogt, %mul3A_149, %add3A_152 : vector<512x1024xf32>
      %convert_element_type3A_154 = arith.extui %gt3A_153 : vector<512x1024xi1> to vector<512x1024xi32>
      %convert_element_type3A_155 = arith.sitofp %convert_element_type3A_154 : vector<512x1024xi32> to vector<512x1024xf32>
      %dot_general3A = arith.constant dense<0.000000e+00> : vector<1x1024xf32>
      %dot_general3A_156 = tpu.matmul %sub3A_74, %convert_element_type3A_155, %dot_general3A {dimension_numbers = #tpu.dot_dimension_numbers<[1], [0], [0], [1], [0, 0, 1, 1], [], []>, transpose_lhs_hint = false} : vector<1x512xf32>, vector<512x1024xf32>, vector<1x1024xf32> -> vector<1x1024xf32>
      %gt3A_157 = arith.constant 5.000000e-01 : f32
      %gt3A_158 = vector.broadcast %gt3A_157 : f32 to vector<1x1024xf32>
      %gt3A_159 = arith.cmpf ogt, %dot_general3A_156, %gt3A_158 : vector<1x1024xf32>
      %convert_element_type3A_160 = arith.extui %gt3A_159 : vector<1x1024xi1> to vector<1x1024xi32>
      %convert_element_type3A_161 = arith.sitofp %convert_element_type3A_160 : vector<1x1024xi32> to vector<1x1024xf32>
      %mul3A_162 = arith.constant 2 : i32
      %mul3A_163 = arith.muli %mul3A_162, %while3A_112 : i32
      %get3A_164 = arith.index_cast %mul3A_163 : i32 to index
      %get3A_165 = arith.constant 0 : index
      %get3A_166 = arith.constant 0 : index
      %get3A_167 = vector.load %arg4[%get3A_164, %get3A_165, %get3A_166] : memref<10x1x512xf32, #tpu.memory_space<vmem>>, vector<1x1x512xf32>
      %get3A_168 = vector.shape_cast %get3A_167 : vector<1x1x512xf32> to vector<1x512xf32>
      %slice3A_169 = vector.extract_strided_slice %convert_element_type3A_161 {offsets = [0, 0], sizes = [1, 512], strides = [1, 1]} : vector<1x1024xf32> to vector<1x512xf32>
      %max3A_170 = arith.maximumf %get3A_168, %slice3A_169 : vector<1x512xf32>
      %mul3A_171 = arith.constant 2 : i32
      %mul3A_172 = arith.muli %mul3A_171, %while3A_112 : i32
      %swap3A_173 = arith.index_cast %mul3A_172 : i32 to index
      %swap3A_174 = arith.constant 0 : index
      %swap3A_175 = arith.constant 0 : index
      %swap3A_176 = vector.load %arg4[%swap3A_173, %swap3A_174, %swap3A_175] : memref<10x1x512xf32, #tpu.memory_space<vmem>>, vector<1x1x512xf32>
      %swap3A_177 = vector.shape_cast %swap3A_176 : vector<1x1x512xf32> to vector<1x512xf32>
      %swap3A_178 = vector.shape_cast %max3A_170 : vector<1x512xf32> to vector<1x1x512xf32>
      tpu.vector_store %arg4[%swap3A_173, %swap3A_174, %swap3A_175], %swap3A_178 {strides = array<i32>} : memref<10x1x512xf32, #tpu.memory_space<vmem>>, vector<1x1x512xf32>,
      %mul3A_179 = arith.constant 2 : i32
      %mul3A_180 = arith.muli %mul3A_179, %while3A_112 : i32
      %add3A_181 = arith.constant 1 : i32
      %add3A_182 = arith.addi %mul3A_180, %add3A_181 : i32
      %get3A_183 = arith.index_cast %add3A_182 : i32 to index
      %get3A_184 = arith.constant 0 : index
      %get3A_185 = arith.constant 0 : index
      %get3A_186 = vector.load %arg4[%get3A_183, %get3A_184, %get3A_185] : memref<10x1x512xf32, #tpu.memory_space<vmem>>, vector<1x1x512xf32>
      %get3A_187 = vector.shape_cast %get3A_186 : vector<1x1x512xf32> to vector<1x512xf32>
      %slice3A_188 = vector.extract_strided_slice %convert_element_type3A_161 {offsets = [0, 512], sizes = [1, 512], strides = [1, 1]} : vector<1x1024xf32> to vector<1x512xf32>
      %max3A_189 = arith.maximumf %get3A_187, %slice3A_188 : vector<1x512xf32>
      %mul3A_190 = arith.constant 2 : i32
      %mul3A_191 = arith.muli %mul3A_190, %while3A_112 : i32
      %add3A_192 = arith.constant 1 : i32
      %add3A_193 = arith.addi %mul3A_191, %add3A_192 : i32
      %swap3A_194 = arith.index_cast %add3A_193 : i32 to index
      %swap3A_195 = arith.constant 0 : index
      %swap3A_196 = arith.constant 0 : index
      %swap3A_197 = vector.load %arg4[%swap3A_194, %swap3A_195, %swap3A_196] : memref<10x1x512xf32, #tpu.memory_space<vmem>>, vector<1x1x512xf32>
      %swap3A_198 = vector.shape_cast %swap3A_197 : vector<1x1x512xf32> to vector<1x512xf32>
      %swap3A_199 = vector.shape_cast %max3A_189 : vector<1x512xf32> to vector<1x1x512xf32>
      tpu.vector_store %arg4[%swap3A_194, %swap3A_195, %swap3A_196], %swap3A_199 {strides = array<i32>} : memref<10x1x512xf32, #tpu.memory_space<vmem>>, vector<1x1x512xf32>,
      %while3A_200 = arith.constant 0 : i32
      scf.yield %while3A_200 : i32
    }
    %while3A_110 = arith.constant 1 : i32
    %while3A_111 = scf.for %while3A_112 = %while3A_107 to %while3A_103 step %while3A_110 iter_args(%while3A_113 = %while3A_109) -> (i32)  : i32 {
      %get3A_114 = arith.index_cast %while3A_112 : i32 to index
      %get3A_115 = arith.constant 0 : index
      %get3A_116 = arith.constant 0 : index
      %get3A_117 = vector.load %arg2[%get3A_114, %get3A_115, %get3A_116] : memref<5x8x1024xf32, #tpu.memory_space<vmem>>, vector<1x8x1024xf32>
      %get3A_118 = vector.shape_cast %get3A_117 : vector<1x8x1024xf32> to vector<8x1024xf32>
      %slice3A_119 = vector.extract_strided_slice %get3A_118 {offsets = [0, 0], sizes = [1, 1024], strides = [1, 1]} : vector<8x1024xf32> to vector<1x1024xf32>
      %slice3A_120 = vector.extract_strided_slice %get3A_118 {offsets = [1, 0], sizes = [1, 1024], strides = [1, 1]} : vector<8x1024xf32> to vector<1x1024xf32>
      %slice3A_121 = vector.extract_strided_slice %get3A_118 {offsets = [2, 0], sizes = [1, 1024], strides = [1, 1]} : vector<8x1024xf32> to vector<1x1024xf32>
      %slice3A_122 = vector.extract_strided_slice %get3A_118 {offsets = [3, 0], sizes = [1, 1024], strides = [1, 1]} : vector<8x1024xf32> to vector<1x1024xf32>
      %sub3A_123 = arith.subf %slice3A_121, %slice3A_119 : vector<1x1024xf32>
      %sub3A_124 = arith.subf %slice3A_122, %slice3A_120 : vector<1x1024xf32>
      %mul3A_125 = arith.mulf %sub3A_123, %sub3A_124 : vector<1x1024xf32>
      %mul3A_126 = arith.constant 0.333333343 : f32
      %mul3A_127 = vector.broadcast %mul3A_126 : f32 to vector<1x1024xf32>
      %mul3A_128 = arith.mulf %mul3A_125, %mul3A_127 : vector<1x1024xf32>
      %min3A_129 = vector.broadcast %slice3A_11 : vector<512x1xf32> to vector<512x1024xf32>
      %min3A_130 = vector.broadcast %slice3A_121 : vector<1x1024xf32> to vector<512x1024xf32>
      %min3A_131 = arith.minimumf %min3A_129, %min3A_130 : vector<512x1024xf32>
      %max3A_132 = vector.broadcast %slice3A : vector<512x1xf32> to vector<512x1024xf32>
      %max3A_133 = vector.broadcast %slice3A_119 : vector<1x1024xf32> to vector<512x1024xf32>
      %max3A_134 = arith.maximumf %max3A_132, %max3A_133 : vector<512x1024xf32>
      %sub3A_135 = arith.subf %min3A_131, %max3A_134 : vector<512x1024xf32>
      %min3A_136 = vector.broadcast %slice3A_12 : vector<512x1xf32> to vector<512x1024xf32>
      %min3A_137 = vector.broadcast %slice3A_122 : vector<1x1024xf32> to vector<512x1024xf32>
      %min3A_138 = arith.minimumf %min3A_136, %min3A_137 : vector<512x1024xf32>
      %max3A_139 = vector.broadcast %slice3A_10 : vector<512x1xf32> to vector<512x1024xf32>
      %max3A_140 = vector.broadcast %slice3A_120 : vector<1x1024xf32> to vector<512x1024xf32>
      %max3A_141 = arith.maximumf %max3A_139, %max3A_140 : vector<512x1024xf32>
      %sub3A_142 = arith.subf %min3A_138, %max3A_141 : vector<512x1024xf32>
      %max3A_143 = arith.constant 0.000000e+00 : f32
      %max3A_144 = vector.broadcast %max3A_143 : f32 to vector<512x1024xf32>
      %max3A_145 = arith.maximumf %sub3A_135, %max3A_144 : vector<512x1024xf32>
      %max3A_146 = arith.constant 0.000000e+00 : f32
      %max3A_147 = vector.broadcast %max3A_146 : f32 to vector<512x1024xf32>
      %max3A_148 = arith.maximumf %sub3A_142, %max3A_147 : vector<512x1024xf32>
      %mul3A_149 = arith.mulf %max3A_145, %max3A_148 : vector<512x1024xf32>
      %add3A_150 = vector.broadcast %mul3A_16 : vector<512x1xf32> to vector<512x1024xf32>
      %add3A_151 = vector.broadcast %mul3A_128 : vector<1x1024xf32> to vector<512x1024xf32>
      %add3A_152 = arith.addf %add3A_150, %add3A_151 : vector<512x1024xf32>
      %gt3A_153 = arith.cmpf ogt, %mul3A_149, %add3A_152 : vector<512x1024xf32>
      %convert_element_type3A_154 = arith.extui %gt3A_153 : vector<512x1024xi1> to vector<512x1024xi32>
      %convert_element_type3A_155 = arith.sitofp %convert_element_type3A_154 : vector<512x1024xi32> to vector<512x1024xf32>
      %dot_general3A = arith.constant dense<0.000000e+00> : vector<1x1024xf32>
      %dot_general3A_156 = tpu.matmul %sub3A_74, %convert_element_type3A_155, %dot_general3A {dimension_numbers = #tpu.dot_dimension_numbers<[1], [0], [0], [1], [0, 0, 1, 1], [], []>, transpose_lhs_hint = false} : vector<1x512xf32>, vector<512x1024xf32>, vector<1x1024xf32> -> vector<1x1024xf32>
      %gt3A_157 = arith.constant 5.000000e-01 : f32
      %gt3A_158 = vector.broadcast %gt3A_157 : f32 to vector<1x1024xf32>
      %gt3A_159 = arith.cmpf ogt, %dot_general3A_156, %gt3A_158 : vector<1x1024xf32>
      %convert_element_type3A_160 = arith.extui %gt3A_159 : vector<1x1024xi1> to vector<1x1024xi32>
      %convert_element_type3A_161 = arith.sitofp %convert_element_type3A_160 : vector<1x1024xi32> to vector<1x1024xf32>
      %mul3A_162 = arith.constant 2 : i32
      %mul3A_163 = arith.muli %mul3A_162, %while3A_112 : i32
      %get3A_164 = arith.index_cast %mul3A_163 : i32 to index
      %get3A_165 = arith.constant 0 : index
      %get3A_166 = arith.constant 0 : index
      %get3A_167 = vector.load %arg4[%get3A_164, %get3A_165, %get3A_166] : memref<10x1x512xf32, #tpu.memory_space<vmem>>, vector<1x1x512xf32>
      %get3A_168 = vector.shape_cast %get3A_167 : vector<1x1x512xf32> to vector<1x512xf32>
      %slice3A_169 = vector.extract_strided_slice %convert_element_type3A_161 {offsets = [0, 0], sizes = [1, 512], strides = [1, 1]} : vector<1x1024xf32> to vector<1x512xf32>
      %max3A_170 = arith.maximumf %get3A_168, %slice3A_169 : vector<1x512xf32>
      %mul3A_171 = arith.constant 2 : i32
      %mul3A_172 = arith.muli %mul3A_171, %while3A_112 : i32
      %swap3A_173 = arith.index_cast %mul3A_172 : i32 to index
      %swap3A_174 = arith.constant 0 : index
      %swap3A_175 = arith.constant 0 : index
      %swap3A_176 = vector.load %arg4[%swap3A_173, %swap3A_174, %swap3A_175] : memref<10x1x512xf32, #tpu.memory_space<vmem>>, vector<1x1x512xf32>
      %swap3A_177 = vector.shape_cast %swap3A_176 : vector<1x1x512xf32> to vector<1x512xf32>
      %swap3A_178 = vector.shape_cast %max3A_170 : vector<1x512xf32> to vector<1x1x512xf32>
      tpu.vector_store %arg4[%swap3A_173, %swap3A_174, %swap3A_175], %swap3A_178 {strides = array<i32>} : memref<10x1x512xf32, #tpu.memory_space<vmem>>, vector<1x1x512xf32>,
      %mul3A_179 = arith.constant 2 : i32
      %mul3A_180 = arith.muli %mul3A_179, %while3A_112 : i32
      %add3A_181 = arith.constant 1 : i32
      %add3A_182 = arith.addi %mul3A_180, %add3A_181 : i32
      %get3A_183 = arith.index_cast %add3A_182 : i32 to index
      %get3A_184 = arith.constant 0 : index
      %get3A_185 = arith.constant 0 : index
      %get3A_186 = vector.load %arg4[%get3A_183, %get3A_184, %get3A_185] : memref<10x1x512xf32, #tpu.memory_space<vmem>>, vector<1x1x512xf32>
      %get3A_187 = vector.shape_cast %get3A_186 : vector<1x1x512xf32> to vector<1x512xf32>
      %slice3A_188 = vector.extract_strided_slice %convert_element_type3A_161 {offsets = [0, 512], sizes = [1, 512], strides = [1, 1]} : vector<1x1024xf32> to vector<1x512xf32>
      %max3A_189 = arith.maximumf %get3A_187, %slice3A_188 : vector<1x512xf32>
      %mul3A_190 = arith.constant 2 : i32
      %mul3A_191 = arith.muli %mul3A_190, %while3A_112 : i32
      %add3A_192 = arith.constant 1 : i32
      %add3A_193 = arith.addi %mul3A_191, %add3A_192 : i32
      %swap3A_194 = arith.index_cast %add3A_193 : i32 to index
      %swap3A_195 = arith.constant 0 : index
      %swap3A_196 = arith.constant 0 : index
      %swap3A_197 = vector.load %arg4[%swap3A_194, %swap3A_195, %swap3A_196] : memref<10x1x512xf32, #tpu.memory_space<vmem>>, vector<1x1x512xf32>
      %swap3A_198 = vector.shape_cast %swap3A_197 : vector<1x1x512xf32> to vector<1x512xf32>
      %swap3A_199 = vector.shape_cast %max3A_189 : vector<1x512xf32> to vector<1x1x512xf32>
      tpu.vector_store %arg4[%swap3A_194, %swap3A_195, %swap3A_196], %swap3A_199 {strides = array<i32>} : memref<10x1x512xf32, #tpu.memory_space<vmem>>, vector<1x1x512xf32>,
      %while3A_200 = arith.constant 0 : i32
      scf.yield %while3A_200 : i32
    }
    return
  }
  func.func @transform_0(%arg0: i32) -> (i32, i32, i32) {
    %c0_i32 = arith.constant 0 : i32
    %c0_i32_0 = arith.constant 0 : i32
    %c0_i32_1 = arith.constant 0 : i32
    return %arg0, %c0_i32, %c0_i32_0 : i32, i32, i32
  }
  func.func @transform_1(%arg0: i32) -> (i32, i32, i32) {
    %c0_i32 = arith.constant 0 : i32
    %c0_i32_0 = arith.constant 0 : i32
    %c0_i32_1 = arith.constant 0 : i32
    %c0_i32_2 = arith.constant 0 : i32
    return %c0_i32, %c0_i32_0, %c0_i32_1 : i32, i32, i32
  }
  func.func @transform_2(%arg0: i32) -> (i32, i32, i32) {
    %c0_i32 = arith.constant 0 : i32
    %c0_i32_0 = arith.constant 0 : i32
    %c0_i32_1 = arith.constant 0 : i32
    return %arg0, %c0_i32, %c0_i32_0 : i32, i32, i32
  }
}

</mosaic_0001>

<sc_bundles>
// kernel: gather_offload_async_start
scs
__scs_entry_jumppad:
0x0: {  	(pc) =	sbr.rel $0x88, $3  }
0x1: {  	(tag) =	ssettag $0x0;
	lr =	simm.s32 $0x1  }
0x2: {  	[smem:$0x3F9F] =	sst lr;
	_ =	strace $0xD0000000  }
0x3: {  	_ = 	snop  }
0x4: {  	_ = 	snop  }
0x5: {  	_ = 	snop  }
0x6: {  	_ = 	snop  }
0x7: {  	_ = 	snop  }
__scs_overlays_trampoline_lowered:
0x8: {  	[smem:$0x3FAE] =	sst s0  }
0x9: {  	[smem:$0x3FAF] =	sst s1  }
0xa: {  	[smem:$0x3FB0] =	sst s2  }
0xb: {  	[smem:$0x3FB1] =	sst s3  }
0xc: {  	[smem:$0x3FB2] =	sst s4  }
0xd: {  	[smem:$0x3FB3] =	sst s5  }
0xe: {  	[smem:$0x3FB4] =	sst s6  }
0xf: {  	[smem:$0x3FB5] =	sst s7  }
0x10: {  	[smem:$0x3FB6] =	sst s8  }
0x11: {  	[smem:$0x3FB7] =	sst s9;
	s0 =	simm.s32 @!p0 $0x0  }
0x12: {  	s1 =	sld [smem:$0x3F9D];
	s0 =	simm.s32 @p0 $0x1  }
0x13: {  	[smem:$0x3FB8] =	sst s0;
	s0 =	simm.s32 @!p1 $0x0  }
0x14: {  	s2 =	sld [smem:$0x3F9C];
	s0 =	simm.s32 @p1 $0x1  }
0x15: {  	[smem:$0x3FB9] =	sst s0;
	s0 =	simm.s32 @!p2 $0x0  }
0x16: {  	s3 =	sld [smem:$0x3FDB];
	s0 =	simm.s32 @p2 $0x1  }
0x17: {  	s4 =	simm.s32 $0x1BF5;
	[smem:$0x3FBB] =	sst s0  }
0x18: {  	s0 =	sld [smem:$0x3F9E];
	_ =	swait.ge [sflag:s4], $0x0  }
0x19: {  	s7 =	sld [smem:$0x3F9F]  }
0x1a: {  	s8 =	sadd.s32 $0xFFFFE003, lr  }
0x1b: {  	s9 =	sadd.s32 $0xFFFFFEF7, lr;
	s5 =	simm.s32 $0xFFFFFFFF;
	p2 =	slt.u32 s8, $0xFFFFF086  }
0x1c: {  	p1 =	slt.u32 s9, $0xF7A;
	s5 =	simm.s32 @!p2 $0x0  }
0x1d: {  	s5 =	simm.s32 @p1 $0x1;
	p0 =	seq.s32 s7, s2  }
0x1e: {  	s7 =	smul.u32 @!p0 $0xF7A, s2;
	p2 =	seq.s32 @!p0 s5, $0x0  }
0x1f: {  	s9 =	smul.u32 $0xF7A, s1;
	s8 =	simm.s32 @!p0 $0x1BF5;
	p2 =	por !p2, p0  }
0x20: {  	[sflag:s8] =	ssyncset.s32 @!p0 $0xFFFFF086;
	s6 =	sadd.s32 @!p0 s3, s7;
	s7 =	simm.s32 @!p0 $0x108  }
0x21: {  	s3 =	sadd.s32 s3, s9;
	s6 =	sadd.s32 @!p0 $0x88, s6;
	s7 =	simm.s32 @p2 $0x1082  }
0x22: {  	[simem:s7], [sflag:s8] =	dma.local @!p0 [hbm:s6], $0xF7A  }
0x23: {  	s9 =	sor.u32 $0xD0000000, s2;
	s6 =	simm.s32 $0x108;
	_ =	swait.ge @!p0 [sflag:s8], $0x0  }
0x24: {  	s3 =	sadd.s32 $0x88, s3;
	s6 =	simm.s32 @!p1 $0x1082;
	[sflag:s4] =	ssyncset.s32 $0xFFFFF086  }
0x25: {  	[simem:s6], [sflag:s4] =	dma.local [hbm:s3], $0xF7A  }
0x26: {  	[smem:$0x3F9F] =	sst s1;
	(tag) =	ssettag s2;
	_ =	strace s9  }
0x27: {  	s1 =	sld [smem:$0x3FAF]  }
0x28: {  	s2 =	sld [smem:$0x3FB0]  }
0x29: {  	s4 =	sld [smem:$0x3FB2]  }
0x2a: {  	p0 =	seq.s32 s5, $0x0;
	s5 =	sld [smem:$0x3FB3]  }
0x2b: {  	s6 =	sld [smem:$0x3FB4]  }
0x2c: {  	s7 =	sld [smem:$0x3FB5]  }
0x2d: {  	s3 =	simm.s32 $0x108;
	s8 =	sld [smem:$0x3FB6]  }
0x2e: {  	s3 =	simm.s32 @!p0 $0x1082;
	s9 =	sld [smem:$0x3FB7]  }
0x2f: {  	lr =	sadd.s32 s0, s3;
	s0 =	sld [smem:$0x3FAE]  }
0x30: {  	s3 =	sld [smem:$0x3FB1]  }
0x31: {  	[smem:$0x3FBA] =	sst s10  }
0x32: {  	s10 =	sld [smem:$0x3FB8];
	_ =	sdelay $0x3  }
0x33: {  	p0 =	seq.s32 s10, $0x1;
	s10 =	sld [smem:$0x3FBA];
	_ =	sdelay $0x3  }
0x34: {  	[smem:$0x3FBA] =	sst s10  }
0x35: {  	s10 =	sld [smem:$0x3FB9];
	_ =	sdelay $0x3  }
0x36: {  	p1 =	seq.s32 s10, $0x1;
	s10 =	sld [smem:$0x3FBA];
	_ =	sdelay $0x3  }
0x37: {  	[smem:$0x3FBA] =	sst s10  }
0x38: {  	s10 =	sld [smem:$0x3FBB]  }
0x39: {  	_ = 	snop;
	(pc) =	sbr.ind lr, $3  }
0x3a: {  	_ = 	snop  }
0x3b: {  	_ = 	snop  }
0x3c: {  	p2 =	seq.s32 s10, $0x1;
	s10 =	sld [smem:$0x3FBA]  }
0x3d: {  	_ =	shalt  }
0x3e: {  	_ =	shalt  }
0x3f: {  	_ =	shalt  }
0x40: {  	_ =	shalt  }
0x41: {  	_ =	shalt  }
0x42: {  	_ =	shalt  }
0x43: {  	_ =	shalt  }
0x44: {  	_ =	shalt  }
0x45: {  	_ =	shalt  }
0x46: {  	_ =	shalt  }
0x47: {  	_ =	shalt  }
0x48: {  	_ =	shalt  }
0x49: {  	_ =	shalt  }
0x4a: {  	_ =	shalt  }
0x4b: {  	_ =	shalt  }
0x4c: {  	_ =	shalt  }
0x4d: {  	_ =	shalt  }
0x4e: {  	_ =	shalt  }
0x4f: {  	_ =	shalt  }
0x50: {  	_ =	shalt  }
0x51: {  	_ =	shalt  }
0x52: {  	_ =	shalt  }
0x53: {  	_ =	shalt  }
0x54: {  	_ =	shalt  }
0x55: {  	_ =	shalt  }
0x56: {  	_ =	shalt  }
0x57: {  	_ =	shalt  }
0x58: {  	_ =	shalt  }
0x59: {  	_ =	shalt  }
0x5a: {  	_ =	shalt  }
0x5b: {  	_ =	shalt  }
0x5c: {  	_ =	shalt  }
0x5d: {  	_ =	shalt  }
0x5e: {  	_ =	shalt  }
0x5f: {  	_ =	shalt  }
0x60: {  	_ =	shalt  }
0x61: {  	_ =	shalt  }
0x62: {  	_ =	shalt  }
0x63: {  	_ =	shalt  }
0x64: {  	_ =	shalt  }
0x65: {  	_ =	shalt  }
0x66: {  	_ =	shalt  }
0x67: {  	_ =	shalt  }
0x68: {  	_ =	shalt  }
0x69: {  	_ =	shalt  }
0x6a: {  	_ =	shalt  }
0x6b: {  	_ =	shalt  }
0x6c: {  	_ =	shalt  }
0x6d: {  	_ =	shalt  }
0x6e: {  	_ =	shalt  }
0x6f: {  	_ =	shalt  }
0x70: {  	_ =	shalt  }
0x71: {  	_ =	shalt  }
0x72: {  	_ =	shalt  }
0x73: {  	_ =	shalt  }
0x74: {  	_ =	shalt  }
0x75: {  	_ =	shalt  }
0x76: {  	_ =	shalt  }
0x77: {  	_ =	shalt  }
0x78: {  	_ =	shalt  }
0x79: {  	_ =	shalt  }
0x7a: {  	_ =	shalt  }
0x7b: {  	_ =	shalt  }
0x7c: {  	_ =	shalt  }
0x7d: {  	_ =	shalt  }
0x7e: {  	_ =	shalt  }
0x7f: {  	_ =	shalt  }
0x80: {  	_ =	shalt  }
0x81: {  	_ =	shalt  }
0x82: {  	_ =	shalt  }
0x83: {  	_ =	shalt  }
0x84: {  	_ =	shalt  }
0x85: {  	_ =	shalt  }
0x86: {  	_ =	shalt  }
0x87: {  	_ =	shalt  }
.Lfunc_end0:
.L_simem_size_0:
called_computation_lowered:
.L_overlay_start_0:
0x88: {  	s2 =	sld [smem:$0x3FD9]  }
0x89: {  	s3 =	sld [smem:$0x3FFE];
	_ =	sdelay $0x1  }
0x8a: {  	s1 =	srdreg.scid  }
0x8b: {  	s0 =	sand.u32 $0x1, s1  }
0x8c: {  	s17 =	sshll.u32 s0, $0xA;
	s2 =	sadd.s32 s3, s2  }
0x8d: {  	s2 =	sadd.s32 s2, s17  }
0x8e: {  	[smem:$0x3FC6] =	sst s2  }
0x8f: {  	_ = 	snop  }
0x90: {  	s2 =	sld [smem:$0x3FD0];
	(tm) =	ssettm $0x1  }
0x91: {  	s18 =	sld [smem:$0x3FFB];
	_ =	sdelay $0x3  }
0x92: {  	_ =	strace s18  }
0x93: {  	s3 =	sld [smem:$0x3FFC];
	_ =	sdelay $0x3  }
0x94: {  	_ =	strace s3  }
0x95: {  	s3 =	sld [smem:$0x3FFD];
	_ =	sdelay $0x3  }
0x96: {  	_ =	strace s3  }
0x97: {  	_ =	strace $0x8FFFFFFF  }
0x98: {  	s19 =	sld [smem:$0x3FDB];
	_ =	sdelay $0x1  }
0x99: {  	s4 =	simm.s32 $_scs_section_size  }
0x9a: {  	s5 =	simm.s32 $_size__tile_overlayer_lowered;
	s6 =	simm.s32 $_tile_overlayer_lowered  }
0x9b: {  	s22 =	simm.s32 $0x1BFF;
	s21 =	sshll.u32 s6, $0x1;
	s3 =	sadd.s32 s4, s19  }
0x9c: {  	s7 =	simm.s32 $0x0;
	s20 =	sshll.u32 s5, $0x1;
	s5 =	sadd.s32 s21, s3  }
0x9d: {  	[timem:s7], [sflag:s22] =	dma.local [hbm:s5], s20  }
0x9e: {  	_ =	swait.ge [sflag:s22], s20  }
0x9f: {  	s4 =	ssub.s32 $0x0, s20;
	[sflag:s22] =	ssyncset.done $0x0  }
0xa0: {  	[sflag:s22] =	ssyncadd.s32 s4;
	_ =	sdelay $0x1  }
0xa1: {  	s23 =	simm.s32 $0x1B8B  }
0xa2: {  	_ =	swait.ge [sflag:s23], $0x1  }
0xa3: {  	[sflag:s23] =	ssyncset.done $0x0  }
0xa4: {  	s25 =	simm.s32 $0x1B8E;
	s24 =	sld [smem:$0x3FFE];
	[sflag:s23] =	ssyncadd.s32 $0xFFFFFFFF  }
0xa5: {  	s26 =	simm.s32 $execute0_lowered;
	[smem:$0x3FD2] =	sst s25  }
0xa6: {  	s5 =	sshll.u32 s26, $0x1;
	_ =	strace $0x80000046;
	[dreg:$0x1] =	wrdreg $0xFFFFFFFF  }
0xa7: {  	s28 =	simm.s32 $_size_execute0_lowered;
	s3 =	sadd.s32 s3, s5;
	[dreg:$0x0] =	wrdreg $0x0  }
0xa8: {  	s5 =	sshll.u32 s28, $0x1;
	[dreg:$0x2] =	wrdreg s3  }
0xa9: {  	[dreg:$0x3] =	wrdreg s5  }
0xaa: {  	[dreg:$0x4] =	wrdreg $0xC0  }
0xab: {  	_ =	task [dreg:s7], $0x5FFFF  }
0xac: {  	[dreg:$0x1] =	wrdreg $0xFFFFFFFF  }
0xad: {  	[dreg:$0x0] =	wrdreg $0x60  }
0xae: {  	[dreg:$0x2] =	wrdreg s24  }
0xaf: {  	[dreg:$0x3] =	wrdreg s2  }
0xb0: {  	[dreg:$0x4] =	wrdreg $0x9  }
0xb1: {  	_ =	task.clear_ibuf [dreg:s7], $0x5FFFF;
	_ =	strace $0x90000046  }
0xb2: {  	s29 =	simm.s32 $0x9;
	_ =	strace $0x80000048  }
0xb3: {  	_ =	swait.ge [sflag:s29], $0x1  }
0xb4: {  	[sflag:s29] =	ssyncadd.s32 $0xFFFFFFFF  }
0xb5: {  	_ =	strace $0x90000048  }
0xb6: {  	_ =	sfence  }
0xb7: {  	s30 =	sld [smem:$0x0];
	_ =	sdelay $0x2  }
0xb8: {  	s31 =	sshll.u32 s1, $0xD;
	s1 =	sshrl.u32 s1, $0x2  }
0xb9: {  	s3 =	sand.u32 $0x4000, s31;
	s1 =	sadd.s32 s1, s30  }
0xba: {  	s0 =	sor.u32 s3, s0;
	s1 =	sshll.u32 s1, $0x11  }
0xbb: {  	s0 =	sor.u32 s1, s0  }
0xbc: {  	s0 =	sadd.s32 $0x8F2B, s0  }
0xbd: {  	[sflag:s0] =	ssyncadd.remote.s32 $0x1  }
0xbe: {  	_ =	sfence.sel $0xFFFF  }
0xbf: {  	[dreg:$0x0] =	wrdreg $0xFFFFFFFF;
	(pc) =	sbr.abs _section_cstart, $3  }
0xc0: {  	[dreg:$0x1] =	wrdreg $0xFFFFFFFF  }
0xc1: {  	_ =	task.clear_ibuf [dreg:s7], $0x2FFFF;
	_ =	strace $0x9FFFFFFF  }
0xc2: {  	(tm) =	ssettm $0x7FFFFFFF  }
0xc3: {  	_ =	shalt  }
tec
execute0_lowered:
.L_overlay_start_1:
0x0: {  	(tag) =	ssettag $0x1  }
0x1: {  	s0 =	srdreg.scid  }
0x2: {  	s1 =	sshll.u32 s0, $0x4  }
0x3: {  	s0 =	stileid.u32;
	s1 =	sand.u32 $0x10, s1  }
0x4: {  	s1 =	sor.u32 s0, s1  }
0x5: {  	s3 =	rddreg [dreg:$0x0];
	s2 =	smin.u32 s1, $0x8  }
0x6: {  	p0 =	slt.u32 s1, $0x8;
	s2 =	sadd.s32 s1, s2;
	s1 =	simm.s32 $0x100  }
0x7: {  	s4 =	rddreg [dreg:$0x1];
	s2 =	sshll.u32 s2, $0x7;
	s1 =	simm.s32 @!p0 $0x80  }
0x8: {  	s6 =	simm.s32 $0x1;
	s7 =	simm.s32 $0x2;
	s1 =	sadd.s32 s1, s2  }
0x9: {  	s10 =	simm.s32 $0x3;
	s13 =	simm.s32 $0x0;
	s5 =	smin.u32 s1, $0x1400  }
.Ltmp0:
0xa: {  	s12 =	simm.s32 $0x0;
	s8 =	ssub.s32 s5, s2;
	(pc) =	sbr.rel .LBB2_1-.Ltmp0, $4  }
0xb: {  	s1 =	rddreg [dreg:$0x2];
	_ =	strace $0x80000047;
	p0 =	sgt.s32 s8, $0x0  }
0xc: {  	s9 =	sadd.s32 $0x14000, s3;
	[sflag:s6] =	ssyncpa.u1 $0x0;
	s8 =	simm.s32 @!p0 $0x0  }
0xd: {  	s11 =	smov.u32 s2;
	[sflag:s7] =	ssyncpa.u1 $0x0;
	s8 =	sshrl.u32 s8, $0x7  }
0xe: {  	vm0 =	vmmov $0xff;
	vm1 =	vcmask $0x3F20;
	[sflag:s10] =	ssyncpa.u1 $0x0;
	p0 =	por $0x0, $0x0;
	s10 =	sadd.s32 $0x1, s8  }
.LBB2_6:
0xf: {  	[hbm:s17] =	stream.linear.scatter [tilespmem:s14], [sflag:$0x3], $0x400, $0x38;
	[tilespmem:$0x8100] =	vst v63  }
.LBB2_7:
0x10: {  	s13 =	sadd.s32 $0x80, s11  }
0x11: {  	s15 =	smov.u32 s2;
	p2 =	slt.s32 s13, s5  }
0x12: {  	s15 =	smov.u32 @p2 s13;
	p2 =	sne.s32 s12, s10  }
.Ltmp1:
0x13: {  	p1 =	slt.u32 s12, $0x2;
	(pc) =	sbr.rel @!p2 .LBB2_8-.Ltmp1, $4  }
0x14: {  	s14 =	simm.s32 @!p1 $0x3  }
0x15: {  	s16 =	sadd.s32 $0x1, s12;
	_ =	swait.ge @!p1 [sflag:s14], $0x4000  }
0x16: {  	p0 =	por !p0, !p0;
	s13 =	smov.u32 s11;
	[sflag:s14] =	ssyncset.done @!p1 $0x0  }
0x17: {  	s12 =	smov.u32 s16;
	s11 =	smov.u32 s15;
	[sflag:s14] =	ssyncadd.s32 @!p1 $0xFFFFC000  }
.LBB2_1:
0x18: {  	p1 =	sge.u32 s12, s8  }
0x19: {  	s14 =	sxor.u32 @!p1 $0xFFFFFFFF, s12  }
0x1a: {  	s31 =	sadd.s32 $0xFFFFFFFF, s12;
	s15 =	sshrl.u32 @!p1 s11, $0x3;
	s14 =	sshll.u32 @!p1 s14, $0x7  }
0x1b: {  	s16 =	sand.u32 @!p1 $0x7, s11;
	s15 =	sadd.s32 @!p1 s4, s15;
	s14 =	sand.u32 @!p1 $0x80, s14  }
0x1c: {  	[tilespmem:s14], [sflag:$0x2] =	stream.linear.gather @!p1 [hbm4b:s15+s16], $0x80, $0x38;
	[tilespmem:$0x8100] =	vst v63  }
0x1d: {  	p1 =	sge.u32 s31, s8  }
.Ltmp2:
0x1e: {  	_ = 	snop;
	(pc) =	sbr.rel @p1 .LBB2_7-.Ltmp2, $1  }
0x1f: {  	_ =	sdelay $0x3  }
0x20: {  	s14 =	simm.s32 $0x1  }
0x21: {  	_ =	swait.ge [sflag:s7], $0x80;
	s14 =	simm.s32 @!p0 $0x0  }
0x22: {  	[sflag:s7] =	ssyncset.done $0x0;
	s16 =	sshll.u32 s14, $0x7  }
0x23: {  	[sflag:s7] =	ssyncadd.s32 $0xFFFFFF80;
	s15 =	sadd.s32 $0x0, s16  }
0x24: {  	v0 =	vld.msk [tilespmem:s15+$0x0 ss:$0x1], $0xffff;
	_ =	sdelay $0x4  }
0x25: {  	vm2 =	vgt.s32 v0, $0x0  }
0x26: {  	v0 =	vnsel vm2, $0x0, v0  }
0x27: {  	v0 =	vmin.u32 v0, $0x13FF  }
0x28: {  	v0 =	vshll.u32 v0, $0x4;
	_ =	sdelay $0x2  }
0x29: {  	s14 =	sshll.u32 s14, $0xE  }
0x2a: {  	s14 =	sor.u32 $0x100, s14  }
0x2b: {  	[tilespmem:s14], [sflag:$0x1] =	stream.indirect_vreg.gather [hbm:s3], $0x80, v0, vm0, $0x38;
	[tilespmem:$0x8100] =	vst v63  }
0x2c: {  	s17 =	sadd.s32 $0x10, s16;
	s15 =	sadd.s32 $0x400, s14  }
0x2d: {  	[tilespmem:s15], [sflag:$0x1] =	stream.indirect_vreg.gather [hbm:s3], $0x80, v0, vm1, $0x38;
	[tilespmem:$0x8100] =	vst v63  }
0x2e: {  	s18 =	simm.s32 $0x80;
	v0 =	vld.msk [tilespmem:s17+$0x0 ss:$0x1], $0xffff;
	s17 =	smov.u32 s14  }
.LBB2_3:
0x2f: {  	p1 =	sne.s32 s18, $0x1C0;
	_ =	sdelay $0x4  }
0x30: {  	vm2 =	vgt.s32 v0, $0x0  }
0x31: {  	v0 =	vnsel vm2, $0x0, v0  }
0x32: {  	v0 =	vmin.u32 v0, $0x13FF  }
0x33: {  	v0 =	vshll.u32 v0, $0x4;
	_ =	sdelay $0x3  }
.Ltmp3:
0x34: {  	s19 =	sshra.s32 s18, $0x2;
	s17 =	sadd.s32 $0x800, s17;
	(pc) =	sbr.rel @p1 .LBB2_3-.Ltmp3, $4  }
0x35: {  	[tilespmem:s17], [sflag:$0x1] =	stream.indirect_vreg.gather [hbm:s3], $0x80, v0, vm0, $0x38;
	[tilespmem:$0x8100] =	vst v63  }
0x36: {  	s19 =	sadd.s32 s19, s16;
	s20 =	sadd.s32 $0x400, s17  }
0x37: {  	[tilespmem:s20], [sflag:$0x1] =	stream.indirect_vreg.gather [hbm:s3], $0x80, v0, vm1, $0x38;
	[tilespmem:$0x8100] =	vst v63  }
0x38: {  	s18 =	sadd.s32 $0x40, s18;
	v0 =	vld.msk [tilespmem:s19+$0x0 ss:$0x1], $0xffff  }
0x39: {  	_ =	sdelay $0x3  }
0x3a: {  	vm2 =	vgt.s32 v0, $0x0  }
0x3b: {  	v0 =	vnsel vm2, $0x0, v0  }
0x3c: {  	v0 =	vmin.u32 v0, $0x13FF  }
0x3d: {  	v0 =	vshll.u32 v0, $0x4;
	_ =	sdelay $0x3  }
0x3e: {  	s16 =	sadd.s32 $0x800, s17  }
0x3f: {  	[tilespmem:s16], [sflag:$0x1] =	stream.indirect_vreg.gather [hbm:s3], $0x80, v0, vm0, $0x38;
	[tilespmem:$0x8100] =	vst v63  }
0x40: {  	s16 =	sadd.s32 $0x400, s16  }
0x41: {  	[tilespmem:s16], [sflag:$0x1] =	stream.indirect_vreg.gather [hbm:s3], $0x80, v0, vm1, $0x38;
	[tilespmem:$0x8100] =	vst v63  }
0x42: {  	s13 =	sshll.u32 s13, $0x4;
	_ =	swait.ge [sflag:s6], $0x4000  }
0x43: {  	s13 =	sadd.s32 s13, s9;
	[sflag:s6] =	ssyncset.done $0x0  }
0x44: {  	s17 =	sadd.s32 $0x0, s13;
	s16 =	simm.s32 $0x80;
	[sflag:s6] =	ssyncadd.s32 $0xFFFFC000  }
.LBB2_5:
0x45: {  	[hbm:s17] =	stream.linear.scatter [tilespmem:s14], [sflag:$0x3], $0x400, $0x38;
	[tilespmem:$0x8100] =	vst v63  }
0x46: {  	s17 =	smov.u32 s16;
	s14 =	smov.u32 s15;
	p1 =	sne.s32 s16, $0x780  }
.Ltmp4:
0x47: {  	s16 =	sadd.s32 $0x80, s16;
	(pc) =	sbr.rel @p1 .LBB2_5-.Ltmp4, $2  }
0x48: {  	_ =	sdelay $0x2  }
0x49: {  	s15 =	sadd.s32 $0x400, s15;
	s17 =	sadd.s32 s17, s13  }
.Ltmp5:
0x4a: {  	_ = 	snop;
	(pc) =	sbr.rel .LBB2_6-.Ltmp5, $1  }
0x4b: {  	_ =	sdelay $0x3  }
.LBB2_8:
0x4c: {  	_ =	sfence.sel $0x180000  }
0x4d: {  	s2 =	simm.s32 $0x2;
	[bflag:$0x0] =	sbarrier.arrive $0xFFFF  }
0x4e: {  	s30 =	simm.s32 $0x3;
	[sflag:s2] =	ssyncpa.u1 $0x1  }
0x4f: {  	s31 =	simm.s32 $0x1;
	[sflag:s30] =	ssyncpa.u1 $0x1  }
0x50: {  	[sflag:s31] =	ssyncpa.u1 $0x1  }
0x51: {  	p0 =	sne.s32 s0, $0x0;
	_ =	strace $0x90000047  }
0x52: {  	s0 =	sadd.s32 @!p0 $0x100000, s1;
	[bflag:$0x2] =	sbarrier.arrive $0xFFFF  }
0x53: {  	[sflag:s0] =	ssyncadd.tile.s32 @!p0 $0x1;
	_ =	shalt  }
.Lfunc_end2:
_tile_overlayer_lowered:
.L_overlay_start_2:
0x54: {  	(tag) =	ssettag $0x2  }
0x55: {  	s0 =	rddreg [dreg:$0x0];
	s2 =	stileid.u32  }
0x56: {  	s1 =	rddreg [dreg:$0x1];
	p0 =	sne.s32 s2, $0x0  }
0x57: {  	s3 =	rddreg [dreg:$0x2];
	[bflag:$0x3] =	sbarrier.arrive $0xFFFF;
	s2 =	simm.s32 @!p0 $0x1C01  }
0x58: {  	[timem:s3], [sflag:s2] =	dma.local @!p0 [hbm:s0], s1  }
0x59: {  	s0 =	simm.s32 @!p0 $0x1  }
0x5a: {  	_ =	swait.ge @!p0 [sflag:s0], s1  }
0x5b: {  	s1 =	ssub.s32 @!p0 $0x0, s1;
	[sflag:s0] =	ssyncset.done @!p0 $0x0  }
0x5c: {  	[sflag:s0] =	ssyncadd.s32 @!p0 s1  }
0x5d: {  	[bflag:$0x3] =	sbarrier.arrive $0xFFFF  }
0x5e: {  	_ =	shalt  }

</sc_bundles>
